<compile_context>
chip_gen: v7x
topology: tpu7x:2x2x1
jax: 0.10.2.dev20260603
libtpu: 0.0.44.dev20260713+nightly
codegen_flags: <defaults>
</compile_context>

<pallas_src>
import functools

import jax
import jax.numpy as jnp
from jax import lax
from jax.experimental import pallas as pl
from jax.experimental.pallas import tpu as pltpu
from jax.experimental.pallas import tpu_sc as plsc

N_EMBEDDINGS = 8192
EMBEDDING_DIM = 64
BETA = 0.25

M_BLK = 1024
C_BLK = 2048
N_CHUNKS = N_EMBEDDINGS // C_BLK


def _rne_bf16(x):
    u = jax.lax.bitcast_convert_type(x, jnp.uint32)
    r = (u + jnp.uint32(0x7FFF) + ((u >> 16) & jnp.uint32(1))) \
        & jnp.uint32(0xFFFF0000)
    return jax.lax.bitcast_convert_type(r, jnp.float32)


def _argmin_kernel(z_ref, cb_ref, s1_ref, s2_ref, idx_ref):
    z = z_ref[...]
    s1 = s1_ref[...]
    zm2 = -2.0 * z

    run_min = jnp.full((M_BLK,), jnp.inf, dtype=jnp.float32)
    col_iota = jax.lax.broadcasted_iota(jnp.int32, (M_BLK, C_BLK), 1)

    def chunk_dot(k):
        cb = cb_ref[pl.ds(k * C_BLK, C_BLK), :]
        return jax.lax.dot_general(
            zm2, cb, (((1,), (1,)), ((), ())),
            preferred_element_type=jnp.float32)

    args = []
    mm2 = chunk_dot(0)
    for k in range(N_CHUNKS):
        mm2_next = chunk_dot(k + 1) if k + 1 < N_CHUNKS else None
        s2 = s2_ref[0, pl.ds(k * C_BLK, C_BLK)]
        d = (s1 + s2[None, :]) + mm2
        m_k = jnp.min(d, axis=1)
        a_k = jnp.min(
            jnp.where(d == m_k[:, None], col_iota, N_EMBEDDINGS), axis=1)
        better = m_k < run_min
        run_min = jnp.where(better, _rne_bf16(m_k), run_min)
        args.append((better, a_k))
        mm2 = mm2_next

    win_arg = jnp.zeros((M_BLK,), dtype=jnp.int32)
    for k, (better, a_k) in enumerate(args):
        win_arg = jnp.where(better, a_k + k * C_BLK, win_arg)
    idx_ref[...] = win_arg[:, None]


def _epilogue_kernel(z_ref, zq_ref, idx_ref, t_ref, loss_ref):
    i = pl.program_id(0)
    odd = (idx_ref[...][:, 0] & 1) == 1
    zq = jnp.where(odd[:, None],
                   zq_ref[:, EMBEDDING_DIM:2 * EMBEDDING_DIM],
                   zq_ref[:, 0:EMBEDDING_DIM])
    t = zq - z_ref[...]
    t_ref[...] = t

    @pl.when(i == 0)
    def _init():
        loss_ref[...] = jnp.zeros((1, 1), jnp.float32)

    loss_ref[...] += jnp.sum(t * t).reshape(1, 1)


GATHER_W = 128


def _make_sc_gather(n_rows):
    info = plsc.get_sparse_core_info()
    n_workers = info.num_cores * info.num_subcores
    b_per_w = n_rows // n_workers
    mesh = plsc.VectorSubcoreMesh(core_axis_name="c", subcore_axis_name="s")

    @functools.partial(
        pl.kernel, mesh=mesh,
        out_type=jax.ShapeDtypeStruct((n_rows, GATHER_W), jnp.float32),
        scratch_types=[
            pltpu.VMEM((b_per_w,), jnp.int32),
            pltpu.VMEM((b_per_w, GATHER_W), jnp.float32),
            pltpu.SemaphoreType.DMA,
        ],
    )
    def sc_gather(table_hbm, idx_hbm, out_hbm, idx_v, rows_v, sem):
        wid = lax.axis_index("s") * info.num_cores + lax.axis_index("c")
        base = wid * b_per_w
        pltpu.sync_copy(idx_hbm.at[pl.ds(base, b_per_w)], idx_v)
        pltpu.async_copy(table_hbm.at[idx_v], rows_v, sem).wait()
        pltpu.sync_copy(rows_v, out_hbm.at[pl.ds(base, b_per_w)])

    return sc_gather


@jax.jit
def kernel(z, codebook):
    z_flat = z.reshape(-1, EMBEDDING_DIM)
    n_rows = z_flat.shape[0]
    s1 = jnp.sum(z_flat ** 2, axis=1, keepdims=True)
    s2 = jnp.sum(codebook ** 2, axis=1).reshape(1, -1)

    grid = (n_rows // M_BLK,)
    idx = pl.pallas_call(
        _argmin_kernel,
        grid=grid,
        in_specs=[
            pl.BlockSpec((M_BLK, EMBEDDING_DIM), lambda i: (i, 0)),
            pl.BlockSpec((N_EMBEDDINGS, EMBEDDING_DIM), lambda i: (0, 0)),
            pl.BlockSpec((M_BLK, 1), lambda i: (i, 0)),
            pl.BlockSpec((1, N_EMBEDDINGS), lambda i: (0, 0)),
        ],
        out_specs=pl.BlockSpec((M_BLK, 1), lambda i: (i, 0)),
        out_shape=jax.ShapeDtypeStruct((n_rows, 1), jnp.int32),
    )(z_flat, codebook, s1, s2)

    table128 = codebook.reshape(N_EMBEDDINGS // 2, GATHER_W)
    idx_flat = idx.reshape(-1)
    z_q = _make_sc_gather(n_rows)(table128, idx_flat >> 1)

    t, loss_sum = pl.pallas_call(
        _epilogue_kernel,
        grid=grid,
        in_specs=[
            pl.BlockSpec((M_BLK, EMBEDDING_DIM), lambda i: (i, 0)),
            pl.BlockSpec((M_BLK, GATHER_W), lambda i: (i, 0)),
            pl.BlockSpec((M_BLK, 1), lambda i: (i, 0)),
        ],
        out_specs=[
            pl.BlockSpec((M_BLK, EMBEDDING_DIM), lambda i: (i, 0)),
            pl.BlockSpec((1, 1), lambda i: (0, 0)),
        ],
        out_shape=[
            jax.ShapeDtypeStruct((n_rows, EMBEDDING_DIM), jnp.float32),
            jax.ShapeDtypeStruct((1, 1), jnp.float32),
        ],
    )(z_flat, z_q, idx)

    mean_sq = loss_sum[0, 0] / (n_rows * EMBEDDING_DIM)
    embedding_loss = mean_sq + BETA * mean_sq
    z_q_out = z + t.reshape(z.shape)
    return z_q_out, embedding_loss

# --- scband reference (transcript-rebuilt; emitter-appended) ---
"""Pipeline reference for scband-vector-quantizer-15891378995320 (READ-ONLY COPY).

The authoritative reference and input builder live on the scoring server;
editing this copy changes nothing except your own understanding.
"""

import jax, jax.numpy as jnp
import numpy as np

N_EMBEDDINGS = 8192
EMBEDDING_DIM = 64
BETA = 0.25


def setup_inputs(seed: int = 0) -> dict:
    key = jax.random.key(seed)
    k1, k2 = jax.random.split(key)
    z = jax.random.normal(k1, (8, 1024, EMBEDDING_DIM), dtype=jnp.float32)
    # nn.Embedding weight init: uniform(-1/K, 1/K)
    codebook = jax.random.uniform(
        k2, (N_EMBEDDINGS, EMBEDDING_DIM), dtype=jnp.float32,
        minval=-1.0 / N_EMBEDDINGS, maxval=1.0 / N_EMBEDDINGS)
    return {"z": z, "codebook": codebook}


def reference(z, codebook):
    z_flat = z.reshape(-1, EMBEDDING_DIM)
    distances = (
        jnp.sum(z_flat ** 2, axis=1, keepdims=True)
        + jnp.sum(codebook ** 2, axis=1)
        - 2.0 * jnp.matmul(z_flat, codebook.T)
    )
    indices = jnp.argmin(distances, axis=1)
    z_q = jnp.take(codebook, indices, axis=0)
    z_q = z_q.reshape(z.shape)
    embedding_loss = (
        jnp.mean((jax.lax.stop_gradient(z_q) - z) ** 2)
        + BETA * jnp.mean((z_q - jax.lax.stop_gradient(z)) ** 2)
    )
    z_q_out = z + jax.lax.stop_gradient(z_q - z)
    return (z_q_out, embedding_loss)

if __name__ == "__main__":
    import jax
    _d = setup_inputs()
    print(jax.jit(kernel)(*tuple(_d.values())))

</pallas_src>

<mosaic_0001>
#map = affine_map<(d0, d1) -> (0, 0)>
#map1 = affine_map<(d0, d1) -> (0)>
module attributes {stable_mosaic.version = 14 : i64} {
  func.func @sc_gather(%arg0: i32, %arg1: i32, %arg2: memref<4096x128xf32, #tpu.memory_space<hbm>>, %arg3: memref<8192xi32, #tpu.memory_space<hbm>>, %arg4: memref<8192x128xf32, #tpu.memory_space<hbm>>, %arg5: memref<256xi32, #tpu.memory_space<vmem>>, %arg6: memref<256x128xf32, #tpu.memory_space<vmem>>, %arg7: memref<!tpu.dma_semaphore, #tpu.memory_space<semaphore_mem>>) attributes {dimension_semantics = [#tpu.dimension_semantics<core_parallel>, #tpu.dimension_semantics<subcore_parallel>], iteration_bounds = array<i64: 2, 16>, scalar_prefetch = 0 : i64, scratch_operands = 3 : i64, tpu.core_type = #tpu.core_type<sc_vector_subcore>, window_params = [{transform_indices = #map}, {transform_indices = #map1}, {transform_indices = #map}]} {
    %mul3A = arith.constant 2 : i32
    %mul3A_0 = arith.muli %arg1, %mul3A : i32
    %add3A = arith.addi %mul3A_0, %arg0 : i32
    %mul3A_1 = arith.constant 256 : i32
    %mul3A_2 = arith.muli %add3A, %mul3A_1 : i32
    "tpu.region"() ({
      %run_scoped3A = tpu.sem_alloc : memref<!tpu.dma_semaphore, #tpu.memory_space<semaphore_mem>>
      %dma_start3A_7 = tpu.memref_slice %arg3[%mul3A_2] : memref<8192xi32, #tpu.memory_space<hbm>> -> memref<256xi32, #tpu.memory_space<hbm>>
      %dma_start3A_8 = tpu.memref_slice %arg3[%mul3A_2] : memref<8192xi32, #tpu.memory_space<hbm>> -> memref<256xi32, #tpu.memory_space<hbm>>
      tpu.enqueue_dma source(%dma_start3A_8 : memref<256xi32, #tpu.memory_space<hbm>>) target(%arg5 : memref<256xi32, #tpu.memory_space<vmem>>) target_semaphore(%run_scoped3A : memref<!tpu.dma_semaphore, #tpu.memory_space<semaphore_mem>>)
      %dma_wait3A_9 = tpu.memref_slice %arg3[%mul3A_2] : memref<8192xi32, #tpu.memory_space<hbm>> -> memref<256xi32, #tpu.memory_space<hbm>>
      %dma_wait3A_10 = tpu.memref_slice %arg3[%mul3A_2] : memref<8192xi32, #tpu.memory_space<hbm>> -> memref<256xi32, #tpu.memory_space<hbm>>
      tpu.wait_dma2 semaphore(%run_scoped3A : memref<!tpu.dma_semaphore, #tpu.memory_space<semaphore_mem>>) src(%dma_wait3A_10 : memref<256xi32, #tpu.memory_space<hbm>>) dst(%arg5 : memref<256xi32, #tpu.memory_space<vmem>>)
      tpu.yield
    }) : () -> ()
    %dma_start3A = arith.constant 0 : i32
    %dma_start3A_3 = arith.constant 0 : i32
    %dma_start3A_4 = tpu.memref_slice %arg2[%dma_start3A, %dma_start3A_3] : memref<4096x128xf32, #tpu.memory_space<hbm>> -> memref<4096x128xf32, #tpu.memory_space<hbm>>
    tpu.enqueue_indirect_dma source(%dma_start3A_4 : memref<4096x128xf32, #tpu.memory_space<hbm>>) target(%arg6 : memref<256x128xf32, #tpu.memory_space<vmem>>) offsets(%arg5 : memref<256xi32, #tpu.memory_space<vmem>>) semaphore(%arg7 : memref<!tpu.dma_semaphore, #tpu.memory_space<semaphore_mem>>)
    %dma_wait3A = arith.constant 0 : i32
    %dma_wait3A_5 = arith.constant 0 : i32
    %dma_wait3A_6 = tpu.memref_slice %arg2[%dma_wait3A, %dma_wait3A_5] : memref<4096x128xf32, #tpu.memory_space<hbm>> -> memref<4096x128xf32, #tpu.memory_space<hbm>>
    tpu.wait_indirect_dma semaphore(%arg7 : memref<!tpu.dma_semaphore, #tpu.memory_space<semaphore_mem>>) src(%dma_wait3A_6 : memref<4096x128xf32, #tpu.memory_space<hbm>>) dst(%arg6 : memref<256x128xf32, #tpu.memory_space<vmem>>)
    "tpu.region"() ({
      %run_scoped3A = tpu.sem_alloc : memref<!tpu.dma_semaphore, #tpu.memory_space<semaphore_mem>>
      %dma_start3A_7 = arith.constant 0 : i32
      %dma_start3A_8 = tpu.memref_slice %arg4[%mul3A_2, %dma_start3A_7] : memref<8192x128xf32, #tpu.memory_space<hbm>> -> memref<256x128xf32, #tpu.memory_space<hbm>>
      %dma_start3A_9 = arith.constant 0 : i32
      %dma_start3A_10 = tpu.memref_slice %arg4[%mul3A_2, %dma_start3A_9] : memref<8192x128xf32, #tpu.memory_space<hbm>> -> memref<256x128xf32, #tpu.memory_space<hbm>>
      tpu.enqueue_dma source(%arg6 : memref<256x128xf32, #tpu.memory_space<vmem>>) target(%dma_start3A_10 : memref<256x128xf32, #tpu.memory_space<hbm>>) target_semaphore(%run_scoped3A : memref<!tpu.dma_semaphore, #tpu.memory_space<semaphore_mem>>)
      %dma_wait3A_11 = arith.constant 0 : i32
      %dma_wait3A_12 = tpu.memref_slice %arg4[%mul3A_2, %dma_wait3A_11] : memref<8192x128xf32, #tpu.memory_space<hbm>> -> memref<256x128xf32, #tpu.memory_space<hbm>>
      %dma_wait3A_13 = arith.constant 0 : i32
      %dma_wait3A_14 = tpu.memref_slice %arg4[%mul3A_2, %dma_wait3A_13] : memref<8192x128xf32, #tpu.memory_space<hbm>> -> memref<256x128xf32, #tpu.memory_space<hbm>>
      tpu.wait_dma2 semaphore(%run_scoped3A : memref<!tpu.dma_semaphore, #tpu.memory_space<semaphore_mem>>) src(%arg6 : memref<256x128xf32, #tpu.memory_space<vmem>>) dst(%dma_wait3A_14 : memref<256x128xf32, #tpu.memory_space<hbm>>)
      tpu.yield
    }) : () -> ()
    return
  }
}

module attributes {stable_mosaic.version = 14 : i64} {
  func.func @_argmin_kernel(%arg0: i32, %arg1: memref<1024x64xf32, #tpu.memory_space<vmem>>, %arg2: memref<8192x64xf32, #tpu.memory_space<vmem>>, %arg3: memref<1024x1xf32, #tpu.memory_space<vmem>>, %arg4: memref<1x8192xf32, #tpu.memory_space<vmem>>, %arg5: memref<1024x1xi32, #tpu.memory_space<vmem>>) attributes {dimension_semantics = [#tpu.dimension_semantics<arbitrary>], iteration_bounds = array<i64: 8>, scalar_prefetch = 0 : i64, scratch_operands = 0 : i64, tpu.core_type = #tpu.core_type<tc>, window_params = [{transform_indices = @transform_0, window_bounds = array<i64: 1024, 64>}, {pipeline_mode = #tpu.pipeline_mode<synchronous>, transform_indices = @transform_1, window_bounds = array<i64: 8192, 64>}, {transform_indices = @transform_2, window_bounds = array<i64: 1024, 1>}, {pipeline_mode = #tpu.pipeline_mode<synchronous>, transform_indices = @transform_3, window_bounds = array<i64: 1, 8192>}, {transform_indices = @transform_4, window_bounds = array<i64: 1024, 1>}]} {
    %get3A = arith.constant 0 : index
    %get3A_0 = arith.constant 0 : index
    %get3A_1 = vector.load %arg1[%get3A, %get3A_0] : memref<1024x64xf32, #tpu.memory_space<vmem>>, vector<1024x64xf32>
    %get3A_2 = arith.constant 0 : index
    %get3A_3 = arith.constant 0 : index
    %get3A_4 = vector.load %arg3[%get3A_2, %get3A_3] : memref<1024x1xf32, #tpu.memory_space<vmem>>, vector<1024x1xf32>
    %mul3A = arith.constant -2.000000e+00 : f32
    %mul3A_5 = vector.broadcast %mul3A : f32 to vector<1024x64xf32>
    %mul3A_6 = arith.mulf %mul3A_5, %get3A_1 : vector<1024x64xf32>
    %broadcast_in_dim3A = arith.constant 0x7F800000 : f32
    %broadcast_in_dim3A_7 = vector.broadcast %broadcast_in_dim3A : f32 to vector<1024xf32>
    %iota3A = tpu.iota {dimensions = array<i32: 1>} : vector<1024x2048xi32>
    %get3A_8 = arith.constant 0 : index
    %get3A_9 = arith.constant 0 : index
    %get3A_10 = vector.load %arg2[%get3A_8, %get3A_9] : memref<8192x64xf32, #tpu.memory_space<vmem>>, vector<2048x64xf32>
    %dot_general3A = arith.constant dense<0.000000e+00> : vector<1024x2048xf32>
    %dot_general3A_11 = tpu.matmul %mul3A_6, %get3A_10, %dot_general3A {dimension_numbers = #tpu.dot_dimension_numbers<[1], [1], [0], [0], [0, 0, 1, 0], [], []>, transpose_lhs_hint = false} : vector<1024x64xf32>, vector<2048x64xf32>, vector<1024x2048xf32> -> vector<1024x2048xf32>
    %get3A_12 = arith.constant 2048 : index
    %get3A_13 = arith.constant 0 : index
    %get3A_14 = vector.load %arg2[%get3A_12, %get3A_13] : memref<8192x64xf32, #tpu.memory_space<vmem>>, vector<2048x64xf32>
    %dot_general3A_15 = arith.constant dense<0.000000e+00> : vector<1024x2048xf32>
    %dot_general3A_16 = tpu.matmul %mul3A_6, %get3A_14, %dot_general3A_15 {dimension_numbers = #tpu.dot_dimension_numbers<[1], [1], [0], [0], [0, 0, 1, 0], [], []>, transpose_lhs_hint = false} : vector<1024x64xf32>, vector<2048x64xf32>, vector<1024x2048xf32> -> vector<1024x2048xf32>
    %get3A_17 = arith.constant 0 : index
    %get3A_18 = arith.constant 0 : index
    %get3A_19 = vector.load %arg4[%get3A_17, %get3A_18] : memref<1x8192xf32, #tpu.memory_space<vmem>>, vector<1x2048xf32>
    %get3A_20 = vector.shape_cast %get3A_19 : vector<1x2048xf32> to vector<2048xf32>
    %broadcast_in_dim3A_21 = vector.shape_cast %get3A_20 : vector<2048xf32> to vector<1x2048xf32>
    %add3A = vector.broadcast %get3A_4 : vector<1024x1xf32> to vector<1024x2048xf32>
    %add3A_22 = vector.broadcast %broadcast_in_dim3A_21 : vector<1x2048xf32> to vector<1024x2048xf32>
    %add3A_23 = arith.addf %add3A, %add3A_22 : vector<1024x2048xf32>
    %add3A_24 = arith.addf %add3A_23, %dot_general3A_11 : vector<1024x2048xf32>
    %reduce_min3A = arith.constant dense<0x7F800000> : vector<1024xf32>
    %reduce_min3A_25 = vector.multi_reduction <minimumf>, %add3A_24, %reduce_min3A [1] : vector<1024x2048xf32> to vector<1024xf32>
    %broadcast_in_dim3A_26 = vector.shape_cast %reduce_min3A_25 : vector<1024xf32> to vector<1024x1xf32>
    %eq3A = vector.broadcast %broadcast_in_dim3A_26 : vector<1024x1xf32> to vector<1024x2048xf32>
    %eq3A_27 = arith.cmpf oeq, %add3A_24, %eq3A : vector<1024x2048xf32>
    %jit3A = arith.constant 8192 : i32
    %broadcast_in_dim3A_28 = vector.broadcast %jit3A : i32 to vector<1024x2048xi32>
    %select_n3A = arith.select %eq3A_27, %iota3A, %broadcast_in_dim3A_28 : vector<1024x2048xi1>, vector<1024x2048xi32>
    %reduce_min3A_29 = arith.constant dense<2147483647> : vector<1024xi32>
    %reduce_min3A_30 = vector.multi_reduction <minsi>, %select_n3A, %reduce_min3A_29 [1] : vector<1024x2048xi32> to vector<1024xi32>
    %lt3A = arith.cmpf olt, %reduce_min3A_25, %broadcast_in_dim3A_7 : vector<1024xf32>
    %bitcast_convert_type3A = tpu.bitcast %reduce_min3A_25 : vector<1024xf32> -> vector<1024xi32>
    %add3A_31 = arith.constant 32767 : i32
    %add3A_32 = vector.broadcast %add3A_31 : i32 to vector<1024xi32>
    %add3A_33 = arith.addi %bitcast_convert_type3A, %add3A_32 : vector<1024xi32>
    %shift_right_logical3A = arith.constant 16 : i32
    %shift_right_logical3A_34 = vector.broadcast %shift_right_logical3A : i32 to vector<1024xi32>
    %shift_right_logical3A_35 = arith.shrui %bitcast_convert_type3A, %shift_right_logical3A_34 : vector<1024xi32>
    %and3A = arith.constant 1 : i32
    %and3A_36 = vector.broadcast %and3A : i32 to vector<1024xi32>
    %and3A_37 = arith.andi %shift_right_logical3A_35, %and3A_36 : vector<1024xi32>
    %add3A_38 = arith.addi %add3A_33, %and3A_37 : vector<1024xi32>
    %and3A_39 = arith.constant -65536 : i32
    %and3A_40 = vector.broadcast %and3A_39 : i32 to vector<1024xi32>
    %and3A_41 = arith.andi %add3A_38, %and3A_40 : vector<1024xi32>
    %bitcast_convert_type3A_42 = tpu.bitcast %and3A_41 : vector<1024xi32> -> vector<1024xf32>
    %select_n3A_43 = arith.select %lt3A, %bitcast_convert_type3A_42, %broadcast_in_dim3A_7 : vector<1024xi1>, vector<1024xf32>
    %get3A_44 = arith.constant 4096 : index
    %get3A_45 = arith.constant 0 : index
    %get3A_46 = vector.load %arg2[%get3A_44, %get3A_45] : memref<8192x64xf32, #tpu.memory_space<vmem>>, vector<2048x64xf32>
    %dot_general3A_47 = arith.constant dense<0.000000e+00> : vector<1024x2048xf32>
    %dot_general3A_48 = tpu.matmul %mul3A_6, %get3A_46, %dot_general3A_47 {dimension_numbers = #tpu.dot_dimension_numbers<[1], [1], [0], [0], [0, 0, 1, 0], [], []>, transpose_lhs_hint = false} : vector<1024x64xf32>, vector<2048x64xf32>, vector<1024x2048xf32> -> vector<1024x2048xf32>
    %get3A_49 = arith.constant 0 : index
    %get3A_50 = arith.constant 2048 : index
    %get3A_51 = vector.load %arg4[%get3A_49, %get3A_50] : memref<1x8192xf32, #tpu.memory_space<vmem>>, vector<1x2048xf32>
    %get3A_52 = vector.shape_cast %get3A_51 : vector<1x2048xf32> to vector<2048xf32>
    %broadcast_in_dim3A_53 = vector.shape_cast %get3A_52 : vector<2048xf32> to vector<1x2048xf32>
    %add3A_54 = vector.broadcast %get3A_4 : vector<1024x1xf32> to vector<1024x2048xf32>
    %add3A_55 = vector.broadcast %broadcast_in_dim3A_53 : vector<1x2048xf32> to vector<1024x2048xf32>
    %add3A_56 = arith.addf %add3A_54, %add3A_55 : vector<1024x2048xf32>
    %add3A_57 = arith.addf %add3A_56, %dot_general3A_16 : vector<1024x2048xf32>
    %reduce_min3A_58 = arith.constant dense<0x7F800000> : vector<1024xf32>
    %reduce_min3A_59 = vector.multi_reduction <minimumf>, %add3A_57, %reduce_min3A_58 [1] : vector<1024x2048xf32> to vector<1024xf32>
    %broadcast_in_dim3A_60 = vector.shape_cast %reduce_min3A_59 : vector<1024xf32> to vector<1024x1xf32>
    %eq3A_61 = vector.broadcast %broadcast_in_dim3A_60 : vector<1024x1xf32> to vector<1024x2048xf32>
    %eq3A_62 = arith.cmpf oeq, %add3A_57, %eq3A_61 : vector<1024x2048xf32>
    %jit3A_63 = arith.constant 8192 : i32
    %broadcast_in_dim3A_64 = vector.broadcast %jit3A_63 : i32 to vector<1024x2048xi32>
    %select_n3A_65 = arith.select %eq3A_62, %iota3A, %broadcast_in_dim3A_64 : vector<1024x2048xi1>, vector<1024x2048xi32>
    %reduce_min3A_66 = arith.constant dense<2147483647> : vector<1024xi32>
    %reduce_min3A_67 = vector.multi_reduction <minsi>, %select_n3A_65, %reduce_min3A_66 [1] : vector<1024x2048xi32> to vector<1024xi32>
    %lt3A_68 = arith.cmpf olt, %reduce_min3A_59, %select_n3A_43 : vector<1024xf32>
    %bitcast_convert_type3A_69 = tpu.bitcast %reduce_min3A_59 : vector<1024xf32> -> vector<1024xi32>
    %add3A_70 = arith.constant 32767 : i32
    %add3A_71 = vector.broadcast %add3A_70 : i32 to vector<1024xi32>
    %add3A_72 = arith.addi %bitcast_convert_type3A_69, %add3A_71 : vector<1024xi32>
    %shift_right_logical3A_73 = arith.constant 16 : i32
    %shift_right_logical3A_74 = vector.broadcast %shift_right_logical3A_73 : i32 to vector<1024xi32>
    %shift_right_logical3A_75 = arith.shrui %bitcast_convert_type3A_69, %shift_right_logical3A_74 : vector<1024xi32>
    %and3A_76 = arith.constant 1 : i32
    %and3A_77 = vector.broadcast %and3A_76 : i32 to vector<1024xi32>
    %and3A_78 = arith.andi %shift_right_logical3A_75, %and3A_77 : vector<1024xi32>
    %add3A_79 = arith.addi %add3A_72, %and3A_78 : vector<1024xi32>
    %and3A_80 = arith.constant -65536 : i32
    %and3A_81 = vector.broadcast %and3A_80 : i32 to vector<1024xi32>
    %and3A_82 = arith.andi %add3A_79, %and3A_81 : vector<1024xi32>
    %bitcast_convert_type3A_83 = tpu.bitcast %and3A_82 : vector<1024xi32> -> vector<1024xf32>
    %select_n3A_84 = arith.select %lt3A_68, %bitcast_convert_type3A_83, %select_n3A_43 : vector<1024xi1>, vector<1024xf32>
    %get3A_85 = arith.constant 6144 : index
    %get3A_86 = arith.constant 0 : index
    %get3A_87 = vector.load %arg2[%get3A_85, %get3A_86] : memref<8192x64xf32, #tpu.memory_space<vmem>>, vector<2048x64xf32>
    %dot_general3A_88 = arith.constant dense<0.000000e+00> : vector<1024x2048xf32>
    %dot_general3A_89 = tpu.matmul %mul3A_6, %get3A_87, %dot_general3A_88 {dimension_numbers = #tpu.dot_dimension_numbers<[1], [1], [0], [0], [0, 0, 1, 0], [], []>, transpose_lhs_hint = false} : vector<1024x64xf32>, vector<2048x64xf32>, vector<1024x2048xf32> -> vector<1024x2048xf32>
    %get3A_90 = arith.constant 0 : index
    %get3A_91 = arith.constant 4096 : index
    %get3A_92 = vector.load %arg4[%get3A_90, %get3A_91] : memref<1x8192xf32, #tpu.memory_space<vmem>>, vector<1x2048xf32>
    %get3A_93 = vector.shape_cast %get3A_92 : vector<1x2048xf32> to vector<2048xf32>
    %broadcast_in_dim3A_94 = vector.shape_cast %get3A_93 : vector<2048xf32> to vector<1x2048xf32>
    %add3A_95 = vector.broadcast %get3A_4 : vector<1024x1xf32> to vector<1024x2048xf32>
    %add3A_96 = vector.broadcast %broadcast_in_dim3A_94 : vector<1x2048xf32> to vector<1024x2048xf32>
    %add3A_97 = arith.addf %add3A_95, %add3A_96 : vector<1024x2048xf32>
    %add3A_98 = arith.addf %add3A_97, %dot_general3A_48 : vector<1024x2048xf32>
    %reduce_min3A_99 = arith.constant dense<0x7F800000> : vector<1024xf32>
    %reduce_min3A_100 = vector.multi_reduction <minimumf>, %add3A_98, %reduce_min3A_99 [1] : vector<1024x2048xf32> to vector<1024xf32>
    %broadcast_in_dim3A_101 = vector.shape_cast %reduce_min3A_100 : vector<1024xf32> to vector<1024x1xf32>
    %eq3A_102 = vector.broadcast %broadcast_in_dim3A_101 : vector<1024x1xf32> to vector<1024x2048xf32>
    %eq3A_103 = arith.cmpf oeq, %add3A_98, %eq3A_102 : vector<1024x2048xf32>
    %jit3A_104 = arith.constant 8192 : i32
    %broadcast_in_dim3A_105 = vector.broadcast %jit3A_104 : i32 to vector<1024x2048xi32>
    %select_n3A_106 = arith.select %eq3A_103, %iota3A, %broadcast_in_dim3A_105 : vector<1024x2048xi1>, vector<1024x2048xi32>
    %reduce_min3A_107 = arith.constant dense<2147483647> : vector<1024xi32>
    %reduce_min3A_108 = vector.multi_reduction <minsi>, %select_n3A_106, %reduce_min3A_107 [1] : vector<1024x2048xi32> to vector<1024xi32>
    %lt3A_109 = arith.cmpf olt, %reduce_min3A_100, %select_n3A_84 : vector<1024xf32>
    %bitcast_convert_type3A_110 = tpu.bitcast %reduce_min3A_100 : vector<1024xf32> -> vector<1024xi32>
    %add3A_111 = arith.constant 32767 : i32
    %add3A_112 = vector.broadcast %add3A_111 : i32 to vector<1024xi32>
    %add3A_113 = arith.addi %bitcast_convert_type3A_110, %add3A_112 : vector<1024xi32>
    %shift_right_logical3A_114 = arith.constant 16 : i32
    %shift_right_logical3A_115 = vector.broadcast %shift_right_logical3A_114 : i32 to vector<1024xi32>
    %shift_right_logical3A_116 = arith.shrui %bitcast_convert_type3A_110, %shift_right_logical3A_115 : vector<1024xi32>
    %and3A_117 = arith.constant 1 : i32
    %and3A_118 = vector.broadcast %and3A_117 : i32 to vector<1024xi32>
    %and3A_119 = arith.andi %shift_right_logical3A_116, %and3A_118 : vector<1024xi32>
    %add3A_120 = arith.addi %add3A_113, %and3A_119 : vector<1024xi32>
    %and3A_121 = arith.constant -65536 : i32
    %and3A_122 = vector.broadcast %and3A_121 : i32 to vector<1024xi32>
    %and3A_123 = arith.andi %add3A_120, %and3A_122 : vector<1024xi32>
    %bitcast_convert_type3A_124 = tpu.bitcast %and3A_123 : vector<1024xi32> -> vector<1024xf32>
    %select_n3A_125 = arith.select %lt3A_109, %bitcast_convert_type3A_124, %select_n3A_84 : vector<1024xi1>, vector<1024xf32>
    %get3A_126 = arith.constant 0 : index
    %get3A_127 = arith.constant 6144 : index
    %get3A_128 = vector.load %arg4[%get3A_126, %get3A_127] : memref<1x8192xf32, #tpu.memory_space<vmem>>, vector<1x2048xf32>
    %get3A_129 = vector.shape_cast %get3A_128 : vector<1x2048xf32> to vector<2048xf32>
    %broadcast_in_dim3A_130 = vector.shape_cast %get3A_129 : vector<2048xf32> to vector<1x2048xf32>
    %add3A_131 = vector.broadcast %get3A_4 : vector<1024x1xf32> to vector<1024x2048xf32>
    %add3A_132 = vector.broadcast %broadcast_in_dim3A_130 : vector<1x2048xf32> to vector<1024x2048xf32>
    %add3A_133 = arith.addf %add3A_131, %add3A_132 : vector<1024x2048xf32>
    %add3A_134 = arith.addf %add3A_133, %dot_general3A_89 : vector<1024x2048xf32>
    %reduce_min3A_135 = arith.constant dense<0x7F800000> : vector<1024xf32>
    %reduce_min3A_136 = vector.multi_reduction <minimumf>, %add3A_134, %reduce_min3A_135 [1] : vector<1024x2048xf32> to vector<1024xf32>
    %broadcast_in_dim3A_137 = vector.shape_cast %reduce_min3A_136 : vector<1024xf32> to vector<1024x1xf32>
    %eq3A_138 = vector.broadcast %broadcast_in_dim3A_137 : vector<1024x1xf32> to vector<1024x2048xf32>
    %eq3A_139 = arith.cmpf oeq, %add3A_134, %eq3A_138 : vector<1024x2048xf32>
    %jit3A_140 = arith.constant 8192 : i32
    %broadcast_in_dim3A_141 = vector.broadcast %jit3A_140 : i32 to vector<1024x2048xi32>
    %select_n3A_142 = arith.select %eq3A_139, %iota3A, %broadcast_in_dim3A_141 : vector<1024x2048xi1>, vector<1024x2048xi32>
    %reduce_min3A_143 = arith.constant dense<2147483647> : vector<1024xi32>
    %reduce_min3A_144 = vector.multi_reduction <minsi>, %select_n3A_142, %reduce_min3A_143 [1] : vector<1024x2048xi32> to vector<1024xi32>
    %lt3A_145 = arith.cmpf olt, %reduce_min3A_136, %select_n3A_125 : vector<1024xf32>
    %broadcast_in_dim3A_146 = arith.constant 0 : i32
    %broadcast_in_dim3A_147 = vector.broadcast %broadcast_in_dim3A_146 : i32 to vector<1024xi32>
    %add3A_148 = arith.constant 0 : i32
    %add3A_149 = vector.broadcast %add3A_148 : i32 to vector<1024xi32>
    %add3A_150 = arith.addi %reduce_min3A_30, %add3A_149 : vector<1024xi32>
    %select_n3A_151 = arith.select %lt3A, %add3A_150, %broadcast_in_dim3A_147 : vector<1024xi1>, vector<1024xi32>
    %add3A_152 = arith.constant 2048 : i32
    %add3A_153 = vector.broadcast %add3A_152 : i32 to vector<1024xi32>
    %add3A_154 = arith.addi %reduce_min3A_67, %add3A_153 : vector<1024xi32>
    %select_n3A_155 = arith.select %lt3A_68, %add3A_154, %select_n3A_151 : vector<1024xi1>, vector<1024xi32>
    %add3A_156 = arith.constant 4096 : i32
    %add3A_157 = vector.broadcast %add3A_156 : i32 to vector<1024xi32>
    %add3A_158 = arith.addi %reduce_min3A_108, %add3A_157 : vector<1024xi32>
    %select_n3A_159 = arith.select %lt3A_109, %add3A_158, %select_n3A_155 : vector<1024xi1>, vector<1024xi32>
    %add3A_160 = arith.constant 6144 : i32
    %add3A_161 = vector.broadcast %add3A_160 : i32 to vector<1024xi32>
    %add3A_162 = arith.addi %reduce_min3A_144, %add3A_161 : vector<1024xi32>
    %select_n3A_163 = arith.select %lt3A_145, %add3A_162, %select_n3A_159 : vector<1024xi1>, vector<1024xi32>
    %broadcast_in_dim3A_164 = vector.shape_cast %select_n3A_163 : vector<1024xi32> to vector<1024x1xi32>
    %swap3A = arith.constant 0 : index
    %swap3A_165 = arith.constant 0 : index
    %swap3A_166 = vector.load %arg5[%swap3A, %swap3A_165] : memref<1024x1xi32, #tpu.memory_space<vmem>>, vector<1024x1xi32>
    tpu.vector_store %arg5[%swap3A, %swap3A_165], %broadcast_in_dim3A_164 {strides = array<i32>} : memref<1024x1xi32, #tpu.memory_space<vmem>>, vector<1024x1xi32>,
    return
  }
  func.func @transform_0(%arg0: i32) -> (i32, i32) {
    %c0_i32 = arith.constant 0 : i32
    %c0_i32_0 = arith.constant 0 : i32
    return %arg0, %c0_i32 : i32, i32
  }
  func.func @transform_1(%arg0: i32) -> (i32, i32) {
    %c0_i32 = arith.constant 0 : i32
    %c0_i32_0 = arith.constant 0 : i32
    %c0_i32_1 = arith.constant 0 : i32
    return %c0_i32, %c0_i32_0 : i32, i32
  }
  func.func @transform_2(%arg0: i32) -> (i32, i32) {
    %c0_i32 = arith.constant 0 : i32
    %c0_i32_0 = arith.constant 0 : i32
    return %arg0, %c0_i32 : i32, i32
  }
  func.func @transform_3(%arg0: i32) -> (i32, i32) {
    %c0_i32 = arith.constant 0 : i32
    %c0_i32_0 = arith.constant 0 : i32
    %c0_i32_1 = arith.constant 0 : i32
    return %c0_i32, %c0_i32_0 : i32, i32
  }
  func.func @transform_4(%arg0: i32) -> (i32, i32) {
    %c0_i32 = arith.constant 0 : i32
    %c0_i32_0 = arith.constant 0 : i32
    return %arg0, %c0_i32 : i32, i32
  }
}

module attributes {stable_mosaic.version = 14 : i64} {
  func.func @_epilogue_kernel(%arg0: i32, %arg1: memref<1024x64xf32, #tpu.memory_space<vmem>>, %arg2: memref<1024x128xf32, #tpu.memory_space<vmem>>, %arg3: memref<1024x1xi32, #tpu.memory_space<vmem>>, %arg4: memref<1024x64xf32, #tpu.memory_space<vmem>>, %arg5: memref<1x1xf32, #tpu.memory_space<vmem>>) attributes {dimension_semantics = [#tpu.dimension_semantics<arbitrary>], iteration_bounds = array<i64: 8>, scalar_prefetch = 0 : i64, scratch_operands = 0 : i64, tpu.core_type = #tpu.core_type<tc>, window_params = [{transform_indices = @transform_0, window_bounds = array<i64: 1024, 64>}, {transform_indices = @transform_1, window_bounds = array<i64: 1024, 128>}, {transform_indices = @transform_2, window_bounds = array<i64: 1024, 1>}, {transform_indices = @transform_3, window_bounds = array<i64: 1024, 64>}, {pipeline_mode = #tpu.pipeline_mode<synchronous>, transform_indices = @transform_4, window_bounds = array<i64: 1, 1>}]} {
    %get3A = arith.constant 0 : index
    %get3A_0 = arith.constant 0 : index
    %get3A_1 = vector.load %arg3[%get3A, %get3A_0] : memref<1024x1xi32, #tpu.memory_space<vmem>>, vector<1024x1xi32>
    %squeeze3A = vector.shape_cast %get3A_1 : vector<1024x1xi32> to vector<1024xi32>
    %and3A = arith.constant 1 : i32
    %and3A_2 = vector.broadcast %and3A : i32 to vector<1024xi32>
    %and3A_3 = arith.andi %squeeze3A, %and3A_2 : vector<1024xi32>
    %eq3A = arith.constant 1 : i32
    %eq3A_4 = vector.broadcast %eq3A : i32 to vector<1024xi32>
    %eq3A_5 = arith.cmpi eq, %and3A_3, %eq3A_4 : vector<1024xi32>
    %broadcast_in_dim3A = vector.shape_cast %eq3A_5 : vector<1024xi1> to vector<1024x1xi1>
    %get3A_6 = arith.constant 0 : index
    %get3A_7 = arith.constant 64 : index
    %get3A_8 = vector.load %arg2[%get3A_6, %get3A_7] : memref<1024x128xf32, #tpu.memory_space<vmem>>, vector<1024x64xf32>
    %get3A_9 = arith.constant 0 : index
    %get3A_10 = arith.constant 0 : index
    %get3A_11 = vector.load %arg2[%get3A_9, %get3A_10] : memref<1024x128xf32, #tpu.memory_space<vmem>>, vector<1024x64xf32>
    %broadcast_in_dim3A_12 = vector.shape_cast %broadcast_in_dim3A : vector<1024x1xi1> to vector<1024x1xi1>
    %broadcast_in_dim3A_13 = vector.broadcast %broadcast_in_dim3A_12 : vector<1024x1xi1> to vector<1024x64xi1>
    %select_n3A = arith.select %broadcast_in_dim3A_13, %get3A_8, %get3A_11 : vector<1024x64xi1>, vector<1024x64xf32>
    %get3A_14 = arith.constant 0 : index
    %get3A_15 = arith.constant 0 : index
    %get3A_16 = vector.load %arg1[%get3A_14, %get3A_15] : memref<1024x64xf32, #tpu.memory_space<vmem>>, vector<1024x64xf32>
    %sub3A = arith.subf %select_n3A, %get3A_16 : vector<1024x64xf32>
    %swap3A = arith.constant 0 : index
    %swap3A_17 = arith.constant 0 : index
    %swap3A_18 = vector.load %arg4[%swap3A, %swap3A_17] : memref<1024x64xf32, #tpu.memory_space<vmem>>, vector<1024x64xf32>
    tpu.vector_store %arg4[%swap3A, %swap3A_17], %sub3A {strides = array<i32>} : memref<1024x64xf32, #tpu.memory_space<vmem>>, vector<1024x64xf32>,
    %eq3A_19 = arith.constant 0 : i32
    %eq3A_20 = arith.cmpi eq, %arg0, %eq3A_19 : i32
    %convert_element_type3A = arith.extui %eq3A_20 : i1 to i32
    %cond3A = arith.constant 0 : i32
    %cond3A_21 = arith.cmpi ne, %convert_element_type3A, %cond3A : i32
    scf.if %cond3A_21 {
      %broadcast_in_dim3A_32 = arith.constant 0.000000e+00 : f32
      %broadcast_in_dim3A_33 = vector.broadcast %broadcast_in_dim3A_32 : f32 to vector<1x1xf32>
      %swap3A_34 = arith.constant 0 : index
      %swap3A_35 = arith.constant 0 : index
      %swap3A_36 = vector.load %arg5[%swap3A_34, %swap3A_35] : memref<1x1xf32, #tpu.memory_space<vmem>>, vector<1x1xf32>
      tpu.vector_store %arg5[%swap3A_34, %swap3A_35], %broadcast_in_dim3A_33 {strides = array<i32>} : memref<1x1xf32, #tpu.memory_space<vmem>>, vector<1x1xf32>,
    } else {
    }
    %get3A_22 = arith.constant 0 : index
    %get3A_23 = arith.constant 0 : index
    %get3A_24 = vector.load %arg5[%get3A_22, %get3A_23] : memref<1x1xf32, #tpu.memory_space<vmem>>, vector<1x1xf32>
    %mul3A = arith.mulf %sub3A, %sub3A : vector<1024x64xf32>
    %reduce_sum3A = vector.shape_cast %mul3A : vector<1024x64xf32> to vector<1x1024x64xf32>
    %reduce_sum3A_25 = arith.constant dense<0.000000e+00> : vector<1xf32>
    %reduce_sum3A_26 = vector.multi_reduction <add>, %reduce_sum3A, %reduce_sum3A_25 [1, 2] : vector<1x1024x64xf32> to vector<1xf32>
    %reduce_sum3A_27 = vector.shape_cast %reduce_sum3A_26 : vector<1xf32> to vector<1x1x1xf32>
    %reduce_sum3A_28 = vector.extract %reduce_sum3A_27[0, 0, 0] : f32 from vector<1x1x1xf32>
    %reshape3A = vector.broadcast %reduce_sum3A_28 : f32 to vector<1x1xf32>
    %add3A = arith.addf %get3A_24, %reshape3A : vector<1x1xf32>
    %swap3A_29 = arith.constant 0 : index
    %swap3A_30 = arith.constant 0 : index
    %swap3A_31 = vector.load %arg5[%swap3A_29, %swap3A_30] : memref<1x1xf32, #tpu.memory_space<vmem>>, vector<1x1xf32>
    tpu.vector_store %arg5[%swap3A_29, %swap3A_30], %add3A {strides = array<i32>} : memref<1x1xf32, #tpu.memory_space<vmem>>, vector<1x1xf32>,
    return
  }
  func.func @transform_0(%arg0: i32) -> (i32, i32) {
    %c0_i32 = arith.constant 0 : i32
    %c0_i32_0 = arith.constant 0 : i32
    return %arg0, %c0_i32 : i32, i32
  }
  func.func @transform_1(%arg0: i32) -> (i32, i32) {
    %c0_i32 = arith.constant 0 : i32
    %c0_i32_0 = arith.constant 0 : i32
    return %arg0, %c0_i32 : i32, i32
  }
  func.func @transform_2(%arg0: i32) -> (i32, i32) {
    %c0_i32 = arith.constant 0 : i32
    %c0_i32_0 = arith.constant 0 : i32
    return %arg0, %c0_i32 : i32, i32
  }
  func.func @transform_3(%arg0: i32) -> (i32, i32) {
    %c0_i32 = arith.constant 0 : i32
    %c0_i32_0 = arith.constant 0 : i32
    return %arg0, %c0_i32 : i32, i32
  }
  func.func @transform_4(%arg0: i32) -> (i32, i32) {
    %c0_i32 = arith.constant 0 : i32
    %c0_i32_0 = arith.constant 0 : i32
    %c0_i32_1 = arith.constant 0 : i32
    return %c0_i32, %c0_i32_0 : i32, i32
  }
}

</mosaic_0001>

<sc_bundles>
// kernel: kernel.5.cloned.1.call-start
scs
__scs_entry_jumppad:
0x0: {  	(pc) =	sbr.rel $0x88, $3  }
0x1: {  	(tag) =	ssettag $0x0;
	lr =	simm.s32 $0x1  }
0x2: {  	[smem:$0x3F9F] =	sst lr;
	_ =	strace $0xD0000000  }
0x3: {  	_ = 	snop  }
0x4: {  	_ = 	snop  }
0x5: {  	_ = 	snop  }
0x6: {  	_ = 	snop  }
0x7: {  	_ = 	snop  }
__scs_overlays_trampoline_lowered:
0x8: {  	[smem:$0x3FAE] =	sst s0  }
0x9: {  	[smem:$0x3FAF] =	sst s1  }
0xa: {  	[smem:$0x3FB0] =	sst s2  }
0xb: {  	[smem:$0x3FB1] =	sst s3  }
0xc: {  	[smem:$0x3FB2] =	sst s4  }
0xd: {  	[smem:$0x3FB3] =	sst s5  }
0xe: {  	[smem:$0x3FB4] =	sst s6  }
0xf: {  	[smem:$0x3FB5] =	sst s7  }
0x10: {  	[smem:$0x3FB6] =	sst s8  }
0x11: {  	[smem:$0x3FB7] =	sst s9;
	s0 =	simm.s32 @!p0 $0x0  }
0x12: {  	s1 =	sld [smem:$0x3F9D];
	s0 =	simm.s32 @p0 $0x1  }
0x13: {  	[smem:$0x3FB8] =	sst s0;
	s0 =	simm.s32 @!p1 $0x0  }
0x14: {  	s2 =	sld [smem:$0x3F9C];
	s0 =	simm.s32 @p1 $0x1  }
0x15: {  	[smem:$0x3FB9] =	sst s0;
	s0 =	simm.s32 @!p2 $0x0  }
0x16: {  	s3 =	sld [smem:$0x3FDB];
	s0 =	simm.s32 @p2 $0x1  }
0x17: {  	s4 =	simm.s32 $0x1BF5;
	[smem:$0x3FBB] =	sst s0  }
0x18: {  	s0 =	sld [smem:$0x3F9E];
	_ =	swait.ge [sflag:s4], $0x0  }
0x19: {  	s7 =	sld [smem:$0x3F9F]  }
0x1a: {  	s8 =	sadd.s32 $0xFFFFE003, lr  }
0x1b: {  	s9 =	sadd.s32 $0xFFFFFEF7, lr;
	s5 =	simm.s32 $0xFFFFFFFF;
	p2 =	slt.u32 s8, $0xFFFFF086  }
0x1c: {  	p1 =	slt.u32 s9, $0xF7A;
	s5 =	simm.s32 @!p2 $0x0  }
0x1d: {  	s5 =	simm.s32 @p1 $0x1;
	p0 =	seq.s32 s7, s2  }
0x1e: {  	s7 =	smul.u32 @!p0 $0xF7A, s2;
	p2 =	seq.s32 @!p0 s5, $0x0  }
0x1f: {  	s9 =	smul.u32 $0xF7A, s1;
	s8 =	simm.s32 @!p0 $0x1BF5;
	p2 =	por !p2, p0  }
0x20: {  	[sflag:s8] =	ssyncset.s32 @!p0 $0xFFFFF086;
	s6 =	sadd.s32 @!p0 s3, s7;
	s7 =	simm.s32 @!p0 $0x108  }
0x21: {  	s3 =	sadd.s32 s3, s9;
	s6 =	sadd.s32 @!p0 $0x88, s6;
	s7 =	simm.s32 @p2 $0x1082  }
0x22: {  	[simem:s7], [sflag:s8] =	dma.local @!p0 [hbm:s6], $0xF7A  }
0x23: {  	s9 =	sor.u32 $0xD0000000, s2;
	s6 =	simm.s32 $0x108;
	_ =	swait.ge @!p0 [sflag:s8], $0x0  }
0x24: {  	s3 =	sadd.s32 $0x88, s3;
	s6 =	simm.s32 @!p1 $0x1082;
	[sflag:s4] =	ssyncset.s32 $0xFFFFF086  }
0x25: {  	[simem:s6], [sflag:s4] =	dma.local [hbm:s3], $0xF7A  }
0x26: {  	[smem:$0x3F9F] =	sst s1;
	(tag) =	ssettag s2;
	_ =	strace s9  }
0x27: {  	s1 =	sld [smem:$0x3FAF]  }
0x28: {  	s2 =	sld [smem:$0x3FB0]  }
0x29: {  	s4 =	sld [smem:$0x3FB2]  }
0x2a: {  	p0 =	seq.s32 s5, $0x0;
	s5 =	sld [smem:$0x3FB3]  }
0x2b: {  	s6 =	sld [smem:$0x3FB4]  }
0x2c: {  	s7 =	sld [smem:$0x3FB5]  }
0x2d: {  	s3 =	simm.s32 $0x108;
	s8 =	sld [smem:$0x3FB6]  }
0x2e: {  	s3 =	simm.s32 @!p0 $0x1082;
	s9 =	sld [smem:$0x3FB7]  }
0x2f: {  	lr =	sadd.s32 s0, s3;
	s0 =	sld [smem:$0x3FAE]  }
0x30: {  	s3 =	sld [smem:$0x3FB1]  }
0x31: {  	[smem:$0x3FBA] =	sst s10  }
0x32: {  	s10 =	sld [smem:$0x3FB8];
	_ =	sdelay $0x3  }
0x33: {  	p0 =	seq.s32 s10, $0x1;
	s10 =	sld [smem:$0x3FBA];
	_ =	sdelay $0x3  }
0x34: {  	[smem:$0x3FBA] =	sst s10  }
0x35: {  	s10 =	sld [smem:$0x3FB9];
	_ =	sdelay $0x3  }
0x36: {  	p1 =	seq.s32 s10, $0x1;
	s10 =	sld [smem:$0x3FBA];
	_ =	sdelay $0x3  }
0x37: {  	[smem:$0x3FBA] =	sst s10  }
0x38: {  	s10 =	sld [smem:$0x3FBB]  }
0x39: {  	_ = 	snop;
	(pc) =	sbr.ind lr, $3  }
0x3a: {  	_ = 	snop  }
0x3b: {  	_ = 	snop  }
0x3c: {  	p2 =	seq.s32 s10, $0x1;
	s10 =	sld [smem:$0x3FBA]  }
0x3d: {  	_ =	shalt  }
0x3e: {  	_ =	shalt  }
0x3f: {  	_ =	shalt  }
0x40: {  	_ =	shalt  }
0x41: {  	_ =	shalt  }
0x42: {  	_ =	shalt  }
0x43: {  	_ =	shalt  }
0x44: {  	_ =	shalt  }
0x45: {  	_ =	shalt  }
0x46: {  	_ =	shalt  }
0x47: {  	_ =	shalt  }
0x48: {  	_ =	shalt  }
0x49: {  	_ =	shalt  }
0x4a: {  	_ =	shalt  }
0x4b: {  	_ =	shalt  }
0x4c: {  	_ =	shalt  }
0x4d: {  	_ =	shalt  }
0x4e: {  	_ =	shalt  }
0x4f: {  	_ =	shalt  }
0x50: {  	_ =	shalt  }
0x51: {  	_ =	shalt  }
0x52: {  	_ =	shalt  }
0x53: {  	_ =	shalt  }
0x54: {  	_ =	shalt  }
0x55: {  	_ =	shalt  }
0x56: {  	_ =	shalt  }
0x57: {  	_ =	shalt  }
0x58: {  	_ =	shalt  }
0x59: {  	_ =	shalt  }
0x5a: {  	_ =	shalt  }
0x5b: {  	_ =	shalt  }
0x5c: {  	_ =	shalt  }
0x5d: {  	_ =	shalt  }
0x5e: {  	_ =	shalt  }
0x5f: {  	_ =	shalt  }
0x60: {  	_ =	shalt  }
0x61: {  	_ =	shalt  }
0x62: {  	_ =	shalt  }
0x63: {  	_ =	shalt  }
0x64: {  	_ =	shalt  }
0x65: {  	_ =	shalt  }
0x66: {  	_ =	shalt  }
0x67: {  	_ =	shalt  }
0x68: {  	_ =	shalt  }
0x69: {  	_ =	shalt  }
0x6a: {  	_ =	shalt  }
0x6b: {  	_ =	shalt  }
0x6c: {  	_ =	shalt  }
0x6d: {  	_ =	shalt  }
0x6e: {  	_ =	shalt  }
0x6f: {  	_ =	shalt  }
0x70: {  	_ =	shalt  }
0x71: {  	_ =	shalt  }
0x72: {  	_ =	shalt  }
0x73: {  	_ =	shalt  }
0x74: {  	_ =	shalt  }
0x75: {  	_ =	shalt  }
0x76: {  	_ =	shalt  }
0x77: {  	_ =	shalt  }
0x78: {  	_ =	shalt  }
0x79: {  	_ =	shalt  }
0x7a: {  	_ =	shalt  }
0x7b: {  	_ =	shalt  }
0x7c: {  	_ =	shalt  }
0x7d: {  	_ =	shalt  }
0x7e: {  	_ =	shalt  }
0x7f: {  	_ =	shalt  }
0x80: {  	_ =	shalt  }
0x81: {  	_ =	shalt  }
0x82: {  	_ =	shalt  }
0x83: {  	_ =	shalt  }
0x84: {  	_ =	shalt  }
0x85: {  	_ =	shalt  }
0x86: {  	_ =	shalt  }
0x87: {  	_ =	shalt  }
.Lfunc_end0:
.L_simem_size_0:
called_computation_lowered:
.L_overlay_start_0:
0x88: {  	s2 =	sld [smem:$0x3FD9]  }
0x89: {  	s3 =	sld [smem:$0x3FFE];
	_ =	sdelay $0x1  }
0x8a: {  	s1 =	srdreg.scid  }
0x8b: {  	s0 =	sand.u32 $0x1, s1  }
0x8c: {  	s14 =	sshll.u32 s0, $0xA;
	s2 =	sadd.s32 s3, s2  }
0x8d: {  	s2 =	sadd.s32 s2, s14  }
0x8e: {  	[smem:$0x3FC6] =	sst s2  }
0x8f: {  	_ = 	snop  }
0x90: {  	s2 =	sld [smem:$0x3FD0];
	_ =	sdelay $0x2  }
0x91: {  	s15 =	simm.s32 $0xA;
	s4 =	simm.s32 $0x10  }
0x92: {  	[smem:s4], [sflag:s15] =	dma.local [hbm:s2], $0x1  }
0x93: {  	_ =	swait.eq [sflag:s15], $0x1  }
0x94: {  	[sflag:s15] =	ssyncset.done $0x0  }
0x95: {  	[sflag:s15] =	ssyncadd.s32 $0xFFFFFFFF  }
0x96: {  	s16 =	sld [smem:$0x10];
	(tm) =	ssettm $0x1  }
0x97: {  	s17 =	sld [smem:$0x3FFB];
	_ =	sdelay $0x3  }
0x98: {  	_ =	strace s17  }
0x99: {  	s3 =	sld [smem:$0x3FFC];
	_ =	sdelay $0x3  }
0x9a: {  	_ =	strace s3  }
0x9b: {  	s3 =	sld [smem:$0x3FFD];
	_ =	sdelay $0x3  }
0x9c: {  	_ =	strace s3  }
0x9d: {  	_ =	strace $0x8FFFFFFF  }
0x9e: {  	s18 =	sld [smem:$0x3FDB];
	_ =	sdelay $0x1  }
0x9f: {  	s19 =	simm.s32 $_scs_section_size  }
0xa0: {  	s5 =	simm.s32 $_size__tile_overlayer_lowered;
	s6 =	simm.s32 $_tile_overlayer_lowered  }
0xa1: {  	s22 =	simm.s32 $0x1BFF;
	s21 =	sshll.u32 s6, $0x1;
	s3 =	sadd.s32 s19, s18  }
0xa2: {  	s7 =	simm.s32 $0x0;
	s20 =	sshll.u32 s5, $0x1;
	s5 =	sadd.s32 s21, s3  }
0xa3: {  	[timem:s7], [sflag:s22] =	dma.local [hbm:s5], s20  }
0xa4: {  	_ =	swait.ge [sflag:s22], s20  }
0xa5: {  	s4 =	ssub.s32 $0x0, s20;
	[sflag:s22] =	ssyncset.done $0x0  }
0xa6: {  	[sflag:s22] =	ssyncadd.s32 s4;
	_ =	sdelay $0x1  }
0xa7: {  	s23 =	simm.s32 $0x1B8B  }
0xa8: {  	_ =	swait.ge [sflag:s23], $0x1  }
0xa9: {  	[sflag:s23] =	ssyncset.done $0x0  }
0xaa: {  	s25 =	simm.s32 $0x1B8E;
	s24 =	sld [smem:$0x3FFE];
	[sflag:s23] =	ssyncadd.s32 $0xFFFFFFFF  }
0xab: {  	s26 =	simm.s32 $execute0_lowered;
	[smem:$0x3FD2] =	sst s25  }
0xac: {  	s5 =	sshll.u32 s26, $0x1;
	_ =	strace $0x80000046;
	[dreg:$0x1] =	wrdreg $0xFFFFFFFF  }
0xad: {  	s28 =	simm.s32 $_size_execute0_lowered;
	s3 =	sadd.s32 s3, s5;
	[dreg:$0x0] =	wrdreg $0x0  }
0xae: {  	s5 =	sshll.u32 s28, $0x1;
	[dreg:$0x2] =	wrdreg s3  }
0xaf: {  	[dreg:$0x3] =	wrdreg s5  }
0xb0: {  	[dreg:$0x4] =	wrdreg $0xC0  }
0xb1: {  	_ =	task [dreg:s7], $0x5FFFF  }
0xb2: {  	[dreg:$0x1] =	wrdreg $0xFFFFFFFF  }
0xb3: {  	[dreg:$0x0] =	wrdreg $0x60  }
0xb4: {  	[dreg:$0x2] =	wrdreg s16  }
0xb5: {  	[dreg:$0x3] =	wrdreg s24  }
0xb6: {  	[dreg:$0x4] =	wrdreg $0x9  }
0xb7: {  	_ =	task.clear_ibuf [dreg:s7], $0x5FFFF;
	_ =	strace $0x90000046  }
0xb8: {  	s29 =	simm.s32 $0x9;
	_ =	strace $0x80000048  }
0xb9: {  	_ =	swait.ge [sflag:s29], $0x1  }
0xba: {  	[sflag:s29] =	ssyncadd.s32 $0xFFFFFFFF  }
0xbb: {  	_ =	strace $0x90000048  }
0xbc: {  	_ =	sfence  }
0xbd: {  	s30 =	sld [smem:$0x0];
	_ =	sdelay $0x2  }
0xbe: {  	s31 =	sshll.u32 s1, $0xD;
	s1 =	sshrl.u32 s1, $0x2  }
0xbf: {  	s3 =	sand.u32 $0x4000, s31;
	s1 =	sadd.s32 s1, s30  }
0xc0: {  	s0 =	sor.u32 s3, s0;
	s1 =	sshll.u32 s1, $0x11  }
0xc1: {  	s0 =	sor.u32 s1, s0  }
0xc2: {  	s0 =	sadd.s32 $0x8F2B, s0  }
0xc3: {  	[sflag:s0] =	ssyncadd.remote.s32 $0x1  }
0xc4: {  	_ =	sfence.sel $0xFFFF  }
0xc5: {  	[dreg:$0x0] =	wrdreg $0xFFFFFFFF;
	(pc) =	sbr.abs _section_cstart, $3  }
0xc6: {  	[dreg:$0x1] =	wrdreg $0xFFFFFFFF  }
0xc7: {  	_ =	task.clear_ibuf [dreg:s7], $0x2FFFF;
	_ =	strace $0x9FFFFFFF  }
0xc8: {  	(tm) =	ssettm $0x7FFFFFFF  }
0xc9: {  	_ =	shalt  }
tec
execute0_lowered:
.L_overlay_start_1:
0x0: {  	(tag) =	ssettag $0x1  }
0x1: {  	s1 =	srdreg.scid;
	s2 =	rddreg [dreg:$0x0]  }
0x2: {  	s0 =	stileid.u32;
	s8 =	rddreg [dreg:$0x1];
	s6 =	sand.u32 $0x1, s1  }
0x3: {  	s3 =	simm.s32 $0x0;
	s4 =	sshll.u32 s0, $0x9;
	s5 =	sshll.u32 s6, $0x8  }
0x4: {  	s7 =	simm.s32 $0x1;
	[smem:$0x7FF] =	sst s3;
	s9 =	sor.u32 s5, s4  }
0x5: {  	s1 =	rddreg [dreg:$0x2];
	_ =	strace $0x80000047;
	s4 =	sshrl.u32 s9, $0x3  }
0x6: {  	s10 =	ssub.s32 $0x2, s6;
	s5 =	sadd.s32 s8, s4;
	s4 =	simm.s32 $0x2  }
0x7: {  	[tilespmem:s3], [sflag:$0x2] =	stream.linear.gather [hbm4b:s5+s3], $0x100, $0x38;
	[tilespmem:$0x8100] =	vst v63  }
0x8: {  	s6 =	simm.s32 $0x100;
	s11 =	sshrl.u32 s10, $0x1;
	_ =	swait.ge [sflag:s4], $0x100  }
0x9: {  	s9 =	sshll.u32 s9, $0x4;
	s31 =	ssub.s32 s10, s11;
	[sflag:s4] =	ssyncset.done $0x0  }
0xa: {  	s8 =	sadd.s32 s9, s8;
	s9 =	smax.u32 s31, $0x1;
	[sflag:s4] =	ssyncadd.s32 $0xFFFFFF00  }
0xb: {  	[tilespmem:s6], [sflag:$0x1] =	stream.indirect.gather [hbm4b:s2+s6], $0x80, s3, s6, $0xb8;
	[tilespmem:$0x8100] =	vst v63  }
0xc: {  	p0 =	sne.s32 s9, $0x1;
	_ =	swait.ge [sflag:s7], $0x8000  }
.Ltmp0:
0xd: {  	[sflag:s7] =	ssyncset.done $0x0;
	(pc) =	sbr.rel @!p0 .LBB2_2-.Ltmp0, $4  }
0xe: {  	s8 =	sadd.s32 $0x400, s8;
	[sflag:s7] =	ssyncadd.s32 $0xFFFF8000  }
0xf: {  	[hbm4b:s8+s3] =	stream.linear.scatter [tilespmem:s6], [sflag:$0x2], $0x8000, $0x38;
	[tilespmem:$0x8100] =	vst v63  }
0x10: {  	_ =	swait.ge [sflag:s4], $0x8000  }
0x11: {  	s9 =	sadd.s32 $0xFFFFFFFF, s9;
	[sflag:s4] =	ssyncset.done $0x0  }
.LBB2_1:
0x12: {  	p0 =	sne.s32 s9, $0x1;
	s9 =	sadd.s32 $0xFFFFFFFF, s9;
	[sflag:s4] =	ssyncadd.s32 $0xFFFF8000  }
0x13: {  	[tilespmem:s3], [sflag:$0x2] =	stream.linear.gather [hbm4b:s5+s3], $0x100, $0x38;
	[tilespmem:$0x8100] =	vst v63  }
0x14: {  	_ =	swait.ge [sflag:s4], $0x100  }
0x15: {  	[sflag:s4] =	ssyncset.done $0x0  }
0x16: {  	[sflag:s4] =	ssyncadd.s32 $0xFFFFFF00  }
0x17: {  	[tilespmem:s6], [sflag:$0x1] =	stream.indirect.gather [hbm4b:s2+s6], $0x80, s3, s6, $0xb8;
	[tilespmem:$0x8100] =	vst v63  }
0x18: {  	_ =	swait.ge [sflag:s7], $0x8000  }
.Ltmp1:
0x19: {  	[sflag:s7] =	ssyncset.done $0x0;
	(pc) =	sbr.rel @p0 .LBB2_1-.Ltmp1, $4  }
0x1a: {  	[sflag:s7] =	ssyncadd.s32 $0xFFFF8000  }
0x1b: {  	[hbm4b:s8+s3] =	stream.linear.scatter [tilespmem:s6], [sflag:$0x2], $0x8000, $0x38;
	[tilespmem:$0x8100] =	vst v63  }
0x1c: {  	_ =	swait.ge [sflag:s4], $0x8000  }
0x1d: {  	[sflag:s4] =	ssyncset.done $0x0  }
.LBB2_2:
0x1e: {  	[sflag:s4] =	ssyncadd.s32 $0xFFFF8000  }
0x1f: {  	_ =	sfence.sel $0x180000  }
0x20: {  	[bflag:$0x0] =	sbarrier.arrive $0xFFFF  }
0x21: {  	p0 =	sne.s32 s0, $0x0;
	_ =	strace $0x90000047  }
0x22: {  	s0 =	sadd.s32 @!p0 $0x100000, s1;
	[bflag:$0x2] =	sbarrier.arrive $0xFFFF  }
0x23: {  	[sflag:s0] =	ssyncadd.tile.s32 @!p0 $0x1;
	_ =	shalt  }
.Lfunc_end2:
_tile_overlayer_lowered:
.L_overlay_start_2:
0x24: {  	(tag) =	ssettag $0x2  }
0x25: {  	s0 =	rddreg [dreg:$0x0];
	s2 =	stileid.u32  }
0x26: {  	s1 =	rddreg [dreg:$0x1];
	p0 =	sne.s32 s2, $0x0  }
0x27: {  	s3 =	rddreg [dreg:$0x2];
	[bflag:$0x3] =	sbarrier.arrive $0xFFFF;
	s2 =	simm.s32 @!p0 $0x1C02  }
0x28: {  	[timem:s3], [sflag:s2] =	dma.local @!p0 [hbm:s0], s1  }
0x29: {  	s0 =	simm.s32 @!p0 $0x2  }
0x2a: {  	_ =	swait.ge @!p0 [sflag:s0], s1  }
0x2b: {  	s1 =	ssub.s32 @!p0 $0x0, s1;
	[sflag:s0] =	ssyncset.done @!p0 $0x0  }
0x2c: {  	[sflag:s0] =	ssyncadd.s32 @!p0 s1  }
0x2d: {  	[bflag:$0x3] =	sbarrier.arrive $0xFFFF  }
0x2e: {  	_ =	shalt  }

</sc_bundles>
